<compile_context>
chip_gen: v7x
topology: tpu7x:2x2x1
jax: 0.10.2.dev20260603
libtpu: 0.0.44.dev20260713+nightly
codegen_flags: <defaults>
</compile_context>

<pallas_src>
import functools

import jax
import jax.numpy as jnp
from jax import lax
from jax.experimental import pallas as pl
from jax.experimental.pallas import tpu as pltpu
from jax.experimental.pallas import tpu_sc as plsc

_N = 10000
_E = 320000
_D = 128
_B = 64
_BN = 5000
_NB = _N // _BN
_NW = 16
_EPW = _E // _NW
_L = 16


def _proj_body(x_ref, w_ref, y_ref):
    y_ref[...] = lax.dot_general(
        w_ref[...], x_ref[...], (((1,), (1,)), ((), ())),
        preferred_element_type=jnp.float32).reshape(1, 2, _BN)


def _proj(x, w_rows):
    return pl.pallas_call(
        _proj_body,
        grid=(_NB,),
        in_specs=[pl.BlockSpec((_BN, _D), lambda i: (i, 0)),
                  pl.BlockSpec((2, _D), lambda i: (0, 0))],
        out_specs=pl.BlockSpec((1, 2, _BN), lambda i: (i, 0, 0)),
        out_shape=jax.ShapeDtypeStruct((_NB, 2, _BN), jnp.float32),
    )(x, w_rows)


def _edge_body(y_hbm, ei_hbm, out_hbm, ytab, srcv, dstv, acc,
               sem_y, sem_s, sem_d):
    wid = lax.axis_index("s") + lax.axis_index("c") * 16
    base = wid * _EPW
    cp_y = [pltpu.async_copy(y_hbm.at[j, 0], ytab.at[pl.ds(j * _BN, _BN)],
                             sem_y) for j in range(_NB)]
    cp_s = pltpu.async_copy(ei_hbm.at[0, pl.ds(base, _EPW)], srcv, sem_s)
    cp_d = pltpu.async_copy(ei_hbm.at[1, pl.ds(base, _EPW)], dstv, sem_d)

    zero = jnp.zeros((_L,), jnp.float32)

    @plsc.parallel_loop(0, _N // _L, unroll=8)
    def _zero(i):
        acc[pl.ds(i * _L, _L)] = zero

    for cp in cp_y:
        cp.wait()
    cp_s.wait()
    cp_d.wait()

    @plsc.parallel_loop(0, _EPW // _L, unroll=16)
    def _edge_iter(i):
        s = srcv[pl.ds(i * _L, _L)]
        d = dstv[pl.ds(i * _L, _L)]
        v = plsc.load_gather(ytab, [s])
        plsc.addupdate_scatter(acc, [d], v)
    pltpu.sync_copy(acc, out_hbm.at[wid])


def _edge(y_flat, edge_index):
    mesh = plsc.VectorSubcoreMesh(core_axis_name="c", subcore_axis_name="s", num_cores=1)
    f = pl.kernel(
        _edge_body,
        mesh=mesh,
        compiler_params=pltpu.CompilerParams(needs_layout_passes=False,
                                             use_tc_tiling_on_sc=False),
        out_type=jax.ShapeDtypeStruct((_NW, _N), jnp.float32),
        scratch_types=[pltpu.VMEM((_N,), jnp.float32),
                       pltpu.VMEM((_EPW,), jnp.int32),
                       pltpu.VMEM((_EPW,), jnp.int32),
                       pltpu.VMEM((_N,), jnp.float32),
                       pltpu.SemaphoreType.DMA,
                       pltpu.SemaphoreType.DMA,
                       pltpu.SemaphoreType.DMA],
    )
    return f(y_flat, edge_index)


def _pool_body(x_ref, parts_ref, batch_ref, y2_ref, brel_ref, out_ref,
               m_ref, d_ref, g_ref):
    i = pl.program_id(0)

    @pl.when(i == 0)
    def _init():
        m_ref[...] = jnp.full((_B, 1), -jnp.inf, jnp.float32)
        d_ref[...] = jnp.zeros((_B, 1), jnp.float32)
        g_ref[...] = jnp.zeros((_B, _D), jnp.float32)

    x = x_ref[...]
    parts = parts_ref[...].reshape(_NW, _BN)
    e_row = jnp.sum(parts, axis=0, keepdims=True)
    yroot_row = y2_ref[0, 1, :].reshape(1, _BN)
    xc = e_row + yroot_row + brel_ref[...]

    b_row = batch_ref[...].reshape(1, _BN)
    gids = lax.broadcasted_iota(jnp.int32, (_B, _BN), 0)
    P = b_row == gids
    Pf = P.astype(jnp.float32)

    m_old = m_ref[...]
    blk_max = jnp.max(jnp.where(P, xc, -jnp.inf), axis=1, keepdims=True)
    m_new = jnp.maximum(m_old, blk_max)
    scale = jnp.exp(jnp.where(m_new == -jnp.inf, 0.0, m_old - m_new))
    m_safe = jnp.where(m_new == -jnp.inf, 0.0, m_new)
    mrow = lax.dot_general(
        m_safe, Pf, (((0,), (0,)), ((), ())),
        precision=lax.Precision.HIGHEST,
        preferred_element_type=jnp.float32)
    ex_row = jnp.exp(xc - mrow)
    EX = Pf * ex_row
    d_ref[...] = d_ref[...] * scale + jnp.sum(EX, axis=1, keepdims=True)
    g_ref[...] = g_ref[...] * scale + jnp.dot(
        EX, x, preferred_element_type=jnp.float32)
    m_ref[...] = m_new

    @pl.when(i == _NB - 1)
    def _fin():
        out_ref[...] = g_ref[...] / (d_ref[...] + 1e-16)


def _pool(x, parts, batch3, y2, brel):
    return pl.pallas_call(
        _pool_body,
        grid=(_NB,),
        in_specs=[pl.BlockSpec((_BN, _D), lambda i: (i, 0)),
                  pl.BlockSpec((_NW, 1, 1, _BN), lambda i: (0, i, 0, 0)),
                  pl.BlockSpec((1, 1, _BN), lambda i: (i, 0, 0)),
                  pl.BlockSpec((1, 2, _BN), lambda i: (i, 0, 0)),
                  pl.BlockSpec((1, 1), lambda i: (0, 0))],
        out_specs=pl.BlockSpec((_B, _D), lambda i: (0, 0)),
        out_shape=jax.ShapeDtypeStruct((_B, _D), jnp.float32),
        scratch_shapes=[pltpu.VMEM((_B, 1), jnp.float32),
                        pltpu.VMEM((_B, 1), jnp.float32),
                        pltpu.VMEM((_B, _D), jnp.float32)],
    )(x, parts, batch3, y2, brel)


def kernel(x, edge_index, batch, W_rel, b_rel, W_root):
    w_rows = jnp.concatenate([W_rel.reshape(1, _D), W_root.reshape(1, _D)],
                             axis=0)
    y2 = _proj(x, w_rows)
    parts = _edge(y2, edge_index)
    parts = parts.reshape(_NW, _NB, 1, _BN)
    batch3 = batch.reshape(_NB, 1, _BN)
    gx = _pool(x, parts, batch3, y2, b_rel.reshape(1, 1))
    return gx

# --- scband reference (transcript-rebuilt; emitter-appended) ---
"""Pipeline reference for scband-global-attention-pool-18021682774957 (READ-ONLY COPY).

The authoritative reference and input builder live on the scoring server;
editing this copy changes nothing except your own understanding.
"""

import jax, jax.numpy as jnp
import numpy as np

N = 10000   # nodes
E = 320000  # edges
D = 128     # hidden_dim
B = 64      # graphs in batch


def setup_inputs(seed: int = 0) -> dict:
    key = jax.random.key(seed)
    k1, k2, k3, k4, k5 = jax.random.split(key, 5)
    x = jax.random.normal(k1, (N, D), dtype=jnp.float32)
    edge_index = jax.random.randint(k2, (2, E), 0, N, dtype=jnp.int32)
    batch = jnp.sort(jax.random.randint(k3, (N,), 0, B, dtype=jnp.int32))
    # GraphConv(hidden_dim, 1) parameters (PyG GraphConv: lin_rel has bias, lin_root no bias)
    W_rel = jax.random.normal(k4, (D, 1), dtype=jnp.float32) * 0.05
    b_rel = jnp.zeros((1,), dtype=jnp.float32)
    W_root = jax.random.normal(k5, (D, 1), dtype=jnp.float32) * 0.05
    return {"x": x, "edge_index": edge_index, "batch": batch,
            "W_rel": W_rel, "b_rel": b_rel, "W_root": W_root}


def reference(x, edge_index, batch, W_rel, b_rel, W_root):
    src = edge_index[0]
    dst = edge_index[1]
    # GraphConv with add aggregation: out = lin_rel(sum_j x_j) + lin_root(x)
    agg = jax.ops.segment_sum(x[src], dst, num_segments=N)
    x_conv = agg @ W_rel + b_rel + x @ W_root  # [N, 1]
    # segment softmax over graphs (torch_geometric.utils.softmax, dim=0)
    seg_max = jax.ops.segment_max(x_conv, batch, num_segments=B)
    seg_max = jnp.where(jnp.isfinite(seg_max), seg_max, 0.0)
    ex = jnp.exp(x_conv - seg_max[batch])
    denom = jax.ops.segment_sum(ex, batch, num_segments=B)
    scores = ex / (denom[batch] + 1e-16)  # [N, 1]
    # global_add_pool(x * scores, batch)
    gx = jax.ops.segment_sum(x * scores, batch, num_segments=B)  # [B, D]
    return gx

if __name__ == "__main__":
    import jax
    _d = setup_inputs()
    print(jax.jit(kernel)(*tuple(_d.values())))

</pallas_src>

<mosaic_0001>
#map = affine_map<(d0, d1) -> (0, 0, 0)>
#map1 = affine_map<(d0, d1) -> (0, 0)>
module attributes {stable_mosaic.version = 14 : i64} {
  func.func @_edge_body(%arg0: i32, %arg1: i32, %arg2: memref<2x2x5000xf32, #tpu.memory_space<hbm>>, %arg3: memref<2x320000xi32, #tpu.memory_space<hbm>>, %arg4: memref<16x10000xf32, #tpu.memory_space<hbm>>, %arg5: memref<10000xf32, #tpu.memory_space<vmem>>, %arg6: memref<20000xi32, #tpu.memory_space<vmem>>, %arg7: memref<20000xi32, #tpu.memory_space<vmem>>, %arg8: memref<10000xf32, #tpu.memory_space<vmem>>, %arg9: memref<!tpu.dma_semaphore, #tpu.memory_space<semaphore_mem>>, %arg10: memref<!tpu.dma_semaphore, #tpu.memory_space<semaphore_mem>>, %arg11: memref<!tpu.dma_semaphore, #tpu.memory_space<semaphore_mem>>) attributes {dimension_semantics = [#tpu.dimension_semantics<core_parallel>, #tpu.dimension_semantics<subcore_parallel>], iteration_bounds = array<i64: 1, 16>, scalar_prefetch = 0 : i64, scratch_operands = 7 : i64, tpu.core_type = #tpu.core_type<sc_vector_subcore>, window_params = [{transform_indices = #map}, {transform_indices = #map1}, {transform_indices = #map1}]} {
    %mul3A = arith.constant 16 : i32
    %mul3A_0 = arith.muli %arg0, %mul3A : i32
    %add3A = arith.addi %arg1, %mul3A_0 : i32
    %mul3A_1 = arith.constant 20000 : i32
    %mul3A_2 = arith.muli %add3A, %mul3A_1 : i32
    %dma_start3A = arith.constant 0 : i32
    %dma_start3A_3 = arith.constant 0 : i32
    %dma_start3A_4 = arith.constant 0 : i32
    %dma_start3A_5 = tpu.memref_slice %arg5[%dma_start3A_4] : memref<10000xf32, #tpu.memory_space<vmem>> -> memref<5000xf32, #tpu.memory_space<vmem>>
    %dma_start3A_6 = arith.constant 0 : i32
    %dma_start3A_7 = tpu.memref_slice %arg2[%dma_start3A, %dma_start3A_3, %dma_start3A_6] : memref<2x2x5000xf32, #tpu.memory_space<hbm>> -> memref<1x1x5000xf32, #tpu.memory_space<hbm>>
    %dma_start3A_8 = tpu.memref_squeeze %dma_start3A_7 : memref<1x1x5000xf32, #tpu.memory_space<hbm>> -> memref<5000xf32, #tpu.memory_space<hbm>>
    %dma_start3A_9 = arith.constant 0 : i32
    %dma_start3A_10 = tpu.memref_slice %arg5[%dma_start3A_9] : memref<10000xf32, #tpu.memory_space<vmem>> -> memref<5000xf32, #tpu.memory_space<vmem>>
    %dma_start3A_11 = arith.constant 0 : i32
    %dma_start3A_12 = tpu.memref_slice %arg2[%dma_start3A, %dma_start3A_3, %dma_start3A_11] : memref<2x2x5000xf32, #tpu.memory_space<hbm>> -> memref<1x1x5000xf32, #tpu.memory_space<hbm>>
    %dma_start3A_13 = tpu.memref_squeeze %dma_start3A_12 : memref<1x1x5000xf32, #tpu.memory_space<hbm>> -> memref<5000xf32, #tpu.memory_space<hbm>>
    tpu.enqueue_dma source(%dma_start3A_13 : memref<5000xf32, #tpu.memory_space<hbm>>) target(%dma_start3A_10 : memref<5000xf32, #tpu.memory_space<vmem>>) target_semaphore(%arg9 : memref<!tpu.dma_semaphore, #tpu.memory_space<semaphore_mem>>)
    %dma_start3A_14 = arith.constant 1 : i32
    %dma_start3A_15 = arith.constant 0 : i32
    %dma_start3A_16 = arith.constant 5000 : i32
    %dma_start3A_17 = tpu.memref_slice %arg5[%dma_start3A_16] : memref<10000xf32, #tpu.memory_space<vmem>> -> memref<5000xf32, #tpu.memory_space<vmem>>
    %dma_start3A_18 = arith.constant 0 : i32
    %dma_start3A_19 = tpu.memref_slice %arg2[%dma_start3A_14, %dma_start3A_15, %dma_start3A_18] : memref<2x2x5000xf32, #tpu.memory_space<hbm>> -> memref<1x1x5000xf32, #tpu.memory_space<hbm>>
    %dma_start3A_20 = tpu.memref_squeeze %dma_start3A_19 : memref<1x1x5000xf32, #tpu.memory_space<hbm>> -> memref<5000xf32, #tpu.memory_space<hbm>>
    %dma_start3A_21 = arith.constant 5000 : i32
    %dma_start3A_22 = tpu.memref_slice %arg5[%dma_start3A_21] : memref<10000xf32, #tpu.memory_space<vmem>> -> memref<5000xf32, #tpu.memory_space<vmem>>
    %dma_start3A_23 = arith.constant 0 : i32
    %dma_start3A_24 = tpu.memref_slice %arg2[%dma_start3A_14, %dma_start3A_15, %dma_start3A_23] : memref<2x2x5000xf32, #tpu.memory_space<hbm>> -> memref<1x1x5000xf32, #tpu.memory_space<hbm>>
    %dma_start3A_25 = tpu.memref_squeeze %dma_start3A_24 : memref<1x1x5000xf32, #tpu.memory_space<hbm>> -> memref<5000xf32, #tpu.memory_space<hbm>>
    tpu.enqueue_dma source(%dma_start3A_25 : memref<5000xf32, #tpu.memory_space<hbm>>) target(%dma_start3A_22 : memref<5000xf32, #tpu.memory_space<vmem>>) target_semaphore(%arg9 : memref<!tpu.dma_semaphore, #tpu.memory_space<semaphore_mem>>)
    %dma_start3A_26 = arith.constant 0 : i32
    %dma_start3A_27 = tpu.memref_slice %arg3[%dma_start3A_26, %mul3A_2] : memref<2x320000xi32, #tpu.memory_space<hbm>> -> memref<1x20000xi32, #tpu.memory_space<hbm>>
    %dma_start3A_28 = tpu.memref_squeeze %dma_start3A_27 : memref<1x20000xi32, #tpu.memory_space<hbm>> -> memref<20000xi32, #tpu.memory_space<hbm>>
    %dma_start3A_29 = tpu.memref_slice %arg3[%dma_start3A_26, %mul3A_2] : memref<2x320000xi32, #tpu.memory_space<hbm>> -> memref<1x20000xi32, #tpu.memory_space<hbm>>
    %dma_start3A_30 = tpu.memref_squeeze %dma_start3A_29 : memref<1x20000xi32, #tpu.memory_space<hbm>> -> memref<20000xi32, #tpu.memory_space<hbm>>
    tpu.enqueue_dma source(%dma_start3A_30 : memref<20000xi32, #tpu.memory_space<hbm>>) target(%arg6 : memref<20000xi32, #tpu.memory_space<vmem>>) target_semaphore(%arg10 : memref<!tpu.dma_semaphore, #tpu.memory_space<semaphore_mem>>)
    %dma_start3A_31 = arith.constant 1 : i32
    %dma_start3A_32 = tpu.memref_slice %arg3[%dma_start3A_31, %mul3A_2] : memref<2x320000xi32, #tpu.memory_space<hbm>> -> memref<1x20000xi32, #tpu.memory_space<hbm>>
    %dma_start3A_33 = tpu.memref_squeeze %dma_start3A_32 : memref<1x20000xi32, #tpu.memory_space<hbm>> -> memref<20000xi32, #tpu.memory_space<hbm>>
    %dma_start3A_34 = tpu.memref_slice %arg3[%dma_start3A_31, %mul3A_2] : memref<2x320000xi32, #tpu.memory_space<hbm>> -> memref<1x20000xi32, #tpu.memory_space<hbm>>
    %dma_start3A_35 = tpu.memref_squeeze %dma_start3A_34 : memref<1x20000xi32, #tpu.memory_space<hbm>> -> memref<20000xi32, #tpu.memory_space<hbm>>
    tpu.enqueue_dma source(%dma_start3A_35 : memref<20000xi32, #tpu.memory_space<hbm>>) target(%arg7 : memref<20000xi32, #tpu.memory_space<vmem>>) target_semaphore(%arg11 : memref<!tpu.dma_semaphore, #tpu.memory_space<semaphore_mem>>)
    %broadcast_in_dim3A = arith.constant 0.000000e+00 : f32
    %broadcast_in_dim3A_36 = vector.broadcast %broadcast_in_dim3A : f32 to vector<16xf32>
    %parallel_loop3A = arith.constant 0 : i32
    %parallel_loop3A_37 = arith.constant 625 : i32
    %parallel_loop3A_38 = arith.constant 1 : i32
    scf.for %parallel_loop3A_75 = %parallel_loop3A to %parallel_loop3A_37 step %parallel_loop3A_38  : i32 {
      %parallel_loop3A_76 = arith.constant 16 : i32
      %parallel_loop3A_77 = arith.muli %parallel_loop3A_75, %parallel_loop3A_76 : i32
      %parallel_loop3A_78 = arith.index_cast %parallel_loop3A_77 : i32 to index
      %parallel_loop3A_79 = tpu.vector_load %arg8[%parallel_loop3A_78] {strides = array<i32>} : memref<10000xf32, #tpu.memory_space<vmem>>, vector<16xf32>,
      tpu.vector_store %arg8[%parallel_loop3A_78], %broadcast_in_dim3A_36 {strides = array<i32>} : memref<10000xf32, #tpu.memory_space<vmem>>, vector<16xf32>,
    } {sc.loop_unroll_factor = 8 : i64, sc.parallel_access}
    %dma_wait3A = arith.constant 0 : i32
    %dma_wait3A_39 = arith.constant 0 : i32
    %dma_wait3A_40 = arith.constant 0 : i32
    %dma_wait3A_41 = tpu.memref_slice %arg5[%dma_wait3A_40] : memref<10000xf32, #tpu.memory_space<vmem>> -> memref<5000xf32, #tpu.memory_space<vmem>>
    %dma_wait3A_42 = arith.constant 0 : i32
    %dma_wait3A_43 = tpu.memref_slice %arg2[%dma_wait3A, %dma_wait3A_39, %dma_wait3A_42] : memref<2x2x5000xf32, #tpu.memory_space<hbm>> -> memref<1x1x5000xf32, #tpu.memory_space<hbm>>
    %dma_wait3A_44 = tpu.memref_squeeze %dma_wait3A_43 : memref<1x1x5000xf32, #tpu.memory_space<hbm>> -> memref<5000xf32, #tpu.memory_space<hbm>>
    %dma_wait3A_45 = arith.constant 0 : i32
    %dma_wait3A_46 = tpu.memref_slice %arg5[%dma_wait3A_45] : memref<10000xf32, #tpu.memory_space<vmem>> -> memref<5000xf32, #tpu.memory_space<vmem>>
    %dma_wait3A_47 = arith.constant 0 : i32
    %dma_wait3A_48 = tpu.memref_slice %arg2[%dma_wait3A, %dma_wait3A_39, %dma_wait3A_47] : memref<2x2x5000xf32, #tpu.memory_space<hbm>> -> memref<1x1x5000xf32, #tpu.memory_space<hbm>>
    %dma_wait3A_49 = tpu.memref_squeeze %dma_wait3A_48 : memref<1x1x5000xf32, #tpu.memory_space<hbm>> -> memref<5000xf32, #tpu.memory_space<hbm>>
    tpu.wait_dma2 semaphore(%arg9 : memref<!tpu.dma_semaphore, #tpu.memory_space<semaphore_mem>>) src(%dma_wait3A_49 : memref<5000xf32, #tpu.memory_space<hbm>>) dst(%dma_wait3A_46 : memref<5000xf32, #tpu.memory_space<vmem>>)
    %dma_wait3A_50 = arith.constant 1 : i32
    %dma_wait3A_51 = arith.constant 0 : i32
    %dma_wait3A_52 = arith.constant 5000 : i32
    %dma_wait3A_53 = tpu.memref_slice %arg5[%dma_wait3A_52] : memref<10000xf32, #tpu.memory_space<vmem>> -> memref<5000xf32, #tpu.memory_space<vmem>>
    %dma_wait3A_54 = arith.constant 0 : i32
    %dma_wait3A_55 = tpu.memref_slice %arg2[%dma_wait3A_50, %dma_wait3A_51, %dma_wait3A_54] : memref<2x2x5000xf32, #tpu.memory_space<hbm>> -> memref<1x1x5000xf32, #tpu.memory_space<hbm>>
    %dma_wait3A_56 = tpu.memref_squeeze %dma_wait3A_55 : memref<1x1x5000xf32, #tpu.memory_space<hbm>> -> memref<5000xf32, #tpu.memory_space<hbm>>
    %dma_wait3A_57 = arith.constant 5000 : i32
    %dma_wait3A_58 = tpu.memref_slice %arg5[%dma_wait3A_57] : memref<10000xf32, #tpu.memory_space<vmem>> -> memref<5000xf32, #tpu.memory_space<vmem>>
    %dma_wait3A_59 = arith.constant 0 : i32
    %dma_wait3A_60 = tpu.memref_slice %arg2[%dma_wait3A_50, %dma_wait3A_51, %dma_wait3A_59] : memref<2x2x5000xf32, #tpu.memory_space<hbm>> -> memref<1x1x5000xf32, #tpu.memory_space<hbm>>
    %dma_wait3A_61 = tpu.memref_squeeze %dma_wait3A_60 : memref<1x1x5000xf32, #tpu.memory_space<hbm>> -> memref<5000xf32, #tpu.memory_space<hbm>>
    tpu.wait_dma2 semaphore(%arg9 : memref<!tpu.dma_semaphore, #tpu.memory_space<semaphore_mem>>) src(%dma_wait3A_61 : memref<5000xf32, #tpu.memory_space<hbm>>) dst(%dma_wait3A_58 : memref<5000xf32, #tpu.memory_space<vmem>>)
    %dma_wait3A_62 = arith.constant 0 : i32
    %dma_wait3A_63 = tpu.memref_slice %arg3[%dma_wait3A_62, %mul3A_2] : memref<2x320000xi32, #tpu.memory_space<hbm>> -> memref<1x20000xi32, #tpu.memory_space<hbm>>
    %dma_wait3A_64 = tpu.memref_squeeze %dma_wait3A_63 : memref<1x20000xi32, #tpu.memory_space<hbm>> -> memref<20000xi32, #tpu.memory_space<hbm>>
    %dma_wait3A_65 = tpu.memref_slice %arg3[%dma_wait3A_62, %mul3A_2] : memref<2x320000xi32, #tpu.memory_space<hbm>> -> memref<1x20000xi32, #tpu.memory_space<hbm>>
    %dma_wait3A_66 = tpu.memref_squeeze %dma_wait3A_65 : memref<1x20000xi32, #tpu.memory_space<hbm>> -> memref<20000xi32, #tpu.memory_space<hbm>>
    tpu.wait_dma2 semaphore(%arg10 : memref<!tpu.dma_semaphore, #tpu.memory_space<semaphore_mem>>) src(%dma_wait3A_66 : memref<20000xi32, #tpu.memory_space<hbm>>) dst(%arg6 : memref<20000xi32, #tpu.memory_space<vmem>>)
    %dma_wait3A_67 = arith.constant 1 : i32
    %dma_wait3A_68 = tpu.memref_slice %arg3[%dma_wait3A_67, %mul3A_2] : memref<2x320000xi32, #tpu.memory_space<hbm>> -> memref<1x20000xi32, #tpu.memory_space<hbm>>
    %dma_wait3A_69 = tpu.memref_squeeze %dma_wait3A_68 : memref<1x20000xi32, #tpu.memory_space<hbm>> -> memref<20000xi32, #tpu.memory_space<hbm>>
    %dma_wait3A_70 = tpu.memref_slice %arg3[%dma_wait3A_67, %mul3A_2] : memref<2x320000xi32, #tpu.memory_space<hbm>> -> memref<1x20000xi32, #tpu.memory_space<hbm>>
    %dma_wait3A_71 = tpu.memref_squeeze %dma_wait3A_70 : memref<1x20000xi32, #tpu.memory_space<hbm>> -> memref<20000xi32, #tpu.memory_space<hbm>>
    tpu.wait_dma2 semaphore(%arg11 : memref<!tpu.dma_semaphore, #tpu.memory_space<semaphore_mem>>) src(%dma_wait3A_71 : memref<20000xi32, #tpu.memory_space<hbm>>) dst(%arg7 : memref<20000xi32, #tpu.memory_space<vmem>>)
    %parallel_loop3A_72 = arith.constant 0 : i32
    %parallel_loop3A_73 = arith.constant 1250 : i32
    %parallel_loop3A_74 = arith.constant 1 : i32
    scf.for %parallel_loop3A_75 = %parallel_loop3A_72 to %parallel_loop3A_73 step %parallel_loop3A_74  : i32 {
      %parallel_loop3A_76 = arith.constant 16 : i32
      %parallel_loop3A_77 = arith.muli %parallel_loop3A_75, %parallel_loop3A_76 : i32
      %parallel_loop3A_78 = arith.index_cast %parallel_loop3A_77 : i32 to index
      %parallel_loop3A_79 = tpu.vector_load %arg6[%parallel_loop3A_78] {strides = array<i32>} : memref<20000xi32, #tpu.memory_space<vmem>>, vector<16xi32>,
      %parallel_loop3A_80 = arith.constant 16 : i32
      %parallel_loop3A_81 = arith.muli %parallel_loop3A_75, %parallel_loop3A_80 : i32
      %parallel_loop3A_82 = arith.index_cast %parallel_loop3A_81 : i32 to index
      %parallel_loop3A_83 = tpu.vector_load %arg7[%parallel_loop3A_82] {strides = array<i32>} : memref<20000xi32, #tpu.memory_space<vmem>>, vector<16xi32>,
      %parallel_loop3A_84 = tpu.vector_load_idx %arg5[%parallel_loop3A_79] : memref<10000xf32, #tpu.memory_space<vmem>>[vector<16xi32>], vector<16xf32>,
      tpu.vector_store_idx %arg8[%parallel_loop3A_83], %parallel_loop3A_84 {add = true} : memref<10000xf32, #tpu.memory_space<vmem>>[vector<16xi32>], vector<16xf32>,
    } {sc.loop_unroll_factor = 16 : i64, sc.parallel_access}
    "tpu.region"() ({
      %run_scoped3A = tpu.sem_alloc : memref<!tpu.dma_semaphore, #tpu.memory_space<semaphore_mem>>
      %dma_start3A_75 = arith.constant 0 : i32
      %dma_start3A_76 = tpu.memref_slice %arg4[%add3A, %dma_start3A_75] : memref<16x10000xf32, #tpu.memory_space<hbm>> -> memref<1x10000xf32, #tpu.memory_space<hbm>>
      %dma_start3A_77 = tpu.memref_squeeze %dma_start3A_76 : memref<1x10000xf32, #tpu.memory_space<hbm>> -> memref<10000xf32, #tpu.memory_space<hbm>>
      %dma_start3A_78 = arith.constant 0 : i32
      %dma_start3A_79 = tpu.memref_slice %arg4[%add3A, %dma_start3A_78] : memref<16x10000xf32, #tpu.memory_space<hbm>> -> memref<1x10000xf32, #tpu.memory_space<hbm>>
      %dma_start3A_80 = tpu.memref_squeeze %dma_start3A_79 : memref<1x10000xf32, #tpu.memory_space<hbm>> -> memref<10000xf32, #tpu.memory_space<hbm>>
      tpu.enqueue_dma source(%arg8 : memref<10000xf32, #tpu.memory_space<vmem>>) target(%dma_start3A_80 : memref<10000xf32, #tpu.memory_space<hbm>>) target_semaphore(%run_scoped3A : memref<!tpu.dma_semaphore, #tpu.memory_space<semaphore_mem>>)
      %dma_wait3A_81 = arith.constant 0 : i32
      %dma_wait3A_82 = tpu.memref_slice %arg4[%add3A, %dma_wait3A_81] : memref<16x10000xf32, #tpu.memory_space<hbm>> -> memref<1x10000xf32, #tpu.memory_space<hbm>>
      %dma_wait3A_83 = tpu.memref_squeeze %dma_wait3A_82 : memref<1x10000xf32, #tpu.memory_space<hbm>> -> memref<10000xf32, #tpu.memory_space<hbm>>
      %dma_wait3A_84 = arith.constant 0 : i32
      %dma_wait3A_85 = tpu.memref_slice %arg4[%add3A, %dma_wait3A_84] : memref<16x10000xf32, #tpu.memory_space<hbm>> -> memref<1x10000xf32, #tpu.memory_space<hbm>>
      %dma_wait3A_86 = tpu.memref_squeeze %dma_wait3A_85 : memref<1x10000xf32, #tpu.memory_space<hbm>> -> memref<10000xf32, #tpu.memory_space<hbm>>
      tpu.wait_dma2 semaphore(%run_scoped3A : memref<!tpu.dma_semaphore, #tpu.memory_space<semaphore_mem>>) src(%arg8 : memref<10000xf32, #tpu.memory_space<vmem>>) dst(%dma_wait3A_86 : memref<10000xf32, #tpu.memory_space<hbm>>)
      tpu.yield
    }) : () -> ()
    return
  }
}

module attributes {stable_mosaic.version = 14 : i64} {
  func.func @_proj_body(%arg0: i32, %arg1: memref<5000x128xf32, #tpu.memory_space<vmem>>, %arg2: memref<2x128xf32, #tpu.memory_space<vmem>>, %arg3: memref<1x2x5000xf32, #tpu.memory_space<vmem>>) attributes {dimension_semantics = [#tpu.dimension_semantics<arbitrary>], iteration_bounds = array<i64: 2>, scalar_prefetch = 0 : i64, scratch_operands = 0 : i64, tpu.core_type = #tpu.core_type<tc>, window_params = [{transform_indices = @transform_0, window_bounds = array<i64: 5000, 128>}, {pipeline_mode = #tpu.pipeline_mode<synchronous>, transform_indices = @transform_1, window_bounds = array<i64: 2, 128>}, {transform_indices = @transform_2, window_bounds = array<i64: 1, 2, 5000>}]} {
    %get3A = arith.constant 0 : index
    %get3A_0 = arith.constant 0 : index
    %get3A_1 = vector.load %arg2[%get3A, %get3A_0] : memref<2x128xf32, #tpu.memory_space<vmem>>, vector<2x128xf32>
    %get3A_2 = arith.constant 0 : index
    %get3A_3 = arith.constant 0 : index
    %get3A_4 = vector.load %arg1[%get3A_2, %get3A_3] : memref<5000x128xf32, #tpu.memory_space<vmem>>, vector<5000x128xf32>
    %dot_general3A = arith.constant dense<0.000000e+00> : vector<2x5000xf32>
    %dot_general3A_5 = tpu.matmul %get3A_1, %get3A_4, %dot_general3A {dimension_numbers = #tpu.dot_dimension_numbers<[1], [1], [0], [0], [0, 0, 1, 0], [], []>, transpose_lhs_hint = false} : vector<2x128xf32>, vector<5000x128xf32>, vector<2x5000xf32> -> vector<2x5000xf32>
    %reshape3A = vector.shape_cast %dot_general3A_5 : vector<2x5000xf32> to vector<1x2x5000xf32>
    %swap3A = arith.constant 0 : index
    %swap3A_6 = arith.constant 0 : index
    %swap3A_7 = arith.constant 0 : index
    %swap3A_8 = vector.load %arg3[%swap3A, %swap3A_6, %swap3A_7] : memref<1x2x5000xf32, #tpu.memory_space<vmem>>, vector<1x2x5000xf32>
    tpu.vector_store %arg3[%swap3A, %swap3A_6, %swap3A_7], %reshape3A {strides = array<i32>} : memref<1x2x5000xf32, #tpu.memory_space<vmem>>, vector<1x2x5000xf32>,
    return
  }
  func.func @transform_0(%arg0: i32) -> (i32, i32) {
    %c0_i32 = arith.constant 0 : i32
    %c0_i32_0 = arith.constant 0 : i32
    return %arg0, %c0_i32 : i32, i32
  }
  func.func @transform_1(%arg0: i32) -> (i32, i32) {
    %c0_i32 = arith.constant 0 : i32
    %c0_i32_0 = arith.constant 0 : i32
    %c0_i32_1 = arith.constant 0 : i32
    return %c0_i32, %c0_i32_0 : i32, i32
  }
  func.func @transform_2(%arg0: i32) -> (i32, i32, i32) {
    %c0_i32 = arith.constant 0 : i32
    %c0_i32_0 = arith.constant 0 : i32
    %c0_i32_1 = arith.constant 0 : i32
    return %arg0, %c0_i32, %c0_i32_0 : i32, i32, i32
  }
}

module attributes {stable_mosaic.version = 14 : i64} {
  func.func @_pool_body(%arg0: i32, %arg1: memref<5000x128xf32, #tpu.memory_space<vmem>>, %arg2: memref<16x1x1x5000xf32, #tpu.memory_space<vmem>>, %arg3: memref<1x1x5000xi32, #tpu.memory_space<vmem>>, %arg4: memref<1x2x5000xf32, #tpu.memory_space<vmem>>, %arg5: memref<1x1xf32, #tpu.memory_space<vmem>>, %arg6: memref<64x128xf32, #tpu.memory_space<vmem>>, %arg7: memref<64x1xf32, #tpu.memory_space<vmem>>, %arg8: memref<64x1xf32, #tpu.memory_space<vmem>>, %arg9: memref<64x128xf32, #tpu.memory_space<vmem>>) attributes {dimension_semantics = [#tpu.dimension_semantics<arbitrary>], iteration_bounds = array<i64: 2>, scalar_prefetch = 0 : i64, scratch_operands = 3 : i64, tpu.core_type = #tpu.core_type<tc>, window_params = [{transform_indices = @transform_0, window_bounds = array<i64: 5000, 128>}, {transform_indices = @transform_1, window_bounds = array<i64: 16, 1, 1, 5000>}, {transform_indices = @transform_2, window_bounds = array<i64: 1, 1, 5000>}, {transform_indices = @transform_3, window_bounds = array<i64: 1, 2, 5000>}, {pipeline_mode = #tpu.pipeline_mode<synchronous>, transform_indices = @transform_4, window_bounds = array<i64: 1, 1>}, {pipeline_mode = #tpu.pipeline_mode<synchronous>, transform_indices = @transform_5, window_bounds = array<i64: 64, 128>}]} {
    %eq3A = arith.constant 0 : i32
    %eq3A_0 = arith.cmpi eq, %arg0, %eq3A : i32
    %convert_element_type3A = arith.extui %eq3A_0 : i1 to i32
    %cond3A = arith.constant 0 : i32
    %cond3A_1 = arith.cmpi ne, %convert_element_type3A, %cond3A : i32
    scf.if %cond3A_1 {
      %broadcast_in_dim3A_83 = arith.constant 0xFF800000 : f32
      %broadcast_in_dim3A_84 = vector.broadcast %broadcast_in_dim3A_83 : f32 to vector<64x1xf32>
      %swap3A_85 = arith.constant 0 : index
      %swap3A_86 = arith.constant 0 : index
      %swap3A_87 = vector.load %arg7[%swap3A_85, %swap3A_86] : memref<64x1xf32, #tpu.memory_space<vmem>>, vector<64x1xf32>
      tpu.vector_store %arg7[%swap3A_85, %swap3A_86], %broadcast_in_dim3A_84 {strides = array<i32>} : memref<64x1xf32, #tpu.memory_space<vmem>>, vector<64x1xf32>,
      %broadcast_in_dim3A_88 = arith.constant 0.000000e+00 : f32
      %broadcast_in_dim3A_89 = vector.broadcast %broadcast_in_dim3A_88 : f32 to vector<64x1xf32>
      %swap3A_90 = arith.constant 0 : index
      %swap3A_91 = arith.constant 0 : index
      %swap3A_92 = vector.load %arg8[%swap3A_90, %swap3A_91] : memref<64x1xf32, #tpu.memory_space<vmem>>, vector<64x1xf32>
      tpu.vector_store %arg8[%swap3A_90, %swap3A_91], %broadcast_in_dim3A_89 {strides = array<i32>} : memref<64x1xf32, #tpu.memory_space<vmem>>, vector<64x1xf32>,
      %broadcast_in_dim3A_93 = arith.constant 0.000000e+00 : f32
      %broadcast_in_dim3A_94 = vector.broadcast %broadcast_in_dim3A_93 : f32 to vector<64x128xf32>
      %swap3A_95 = arith.constant 0 : index
      %swap3A_96 = arith.constant 0 : index
      %swap3A_97 = vector.load %arg9[%swap3A_95, %swap3A_96] : memref<64x128xf32, #tpu.memory_space<vmem>>, vector<64x128xf32>
      tpu.vector_store %arg9[%swap3A_95, %swap3A_96], %broadcast_in_dim3A_94 {strides = array<i32>} : memref<64x128xf32, #tpu.memory_space<vmem>>, vector<64x128xf32>,
    } else {
    }
    %get3A = arith.constant 0 : index
    %get3A_2 = arith.constant 0 : index
    %get3A_3 = vector.load %arg1[%get3A, %get3A_2] : memref<5000x128xf32, #tpu.memory_space<vmem>>, vector<5000x128xf32>
    %get3A_4 = arith.constant 0 : index
    %get3A_5 = arith.constant 0 : index
    %get3A_6 = arith.constant 0 : index
    %get3A_7 = arith.constant 0 : index
    %get3A_8 = vector.load %arg2[%get3A_4, %get3A_5, %get3A_6, %get3A_7] : memref<16x1x1x5000xf32, #tpu.memory_space<vmem>>, vector<16x1x1x5000xf32>
    %reshape3A = vector.shape_cast %get3A_8 : vector<16x1x1x5000xf32> to vector<16x5000xf32>
    %reduce_sum3A = arith.constant dense<0.000000e+00> : vector<5000xf32>
    %reduce_sum3A_9 = vector.multi_reduction <add>, %reshape3A, %reduce_sum3A [0] : vector<16x5000xf32> to vector<5000xf32>
    %broadcast_in_dim3A = vector.shape_cast %reduce_sum3A_9 : vector<5000xf32> to vector<1x5000xf32>
    %get3A_10 = arith.constant 0 : index
    %get3A_11 = arith.constant 1 : index
    %get3A_12 = arith.constant 0 : index
    %get3A_13 = vector.load %arg4[%get3A_10, %get3A_11, %get3A_12] : memref<1x2x5000xf32, #tpu.memory_space<vmem>>, vector<1x1x5000xf32>
    %get3A_14 = vector.shape_cast %get3A_13 : vector<1x1x5000xf32> to vector<5000xf32>
    %reshape3A_15 = vector.shape_cast %get3A_14 : vector<5000xf32> to vector<1x5000xf32>
    %add3A = arith.addf %broadcast_in_dim3A, %reshape3A_15 : vector<1x5000xf32>
    %get3A_16 = arith.constant 0 : index
    %get3A_17 = arith.constant 0 : index
    %get3A_18 = vector.load %arg5[%get3A_16, %get3A_17] : memref<1x1xf32, #tpu.memory_space<vmem>>, vector<1x1xf32>
    %add3A_19 = vector.broadcast %get3A_18 : vector<1x1xf32> to vector<1x5000xf32>
    %add3A_20 = arith.addf %add3A, %add3A_19 : vector<1x5000xf32>
    %get3A_21 = arith.constant 0 : index
    %get3A_22 = arith.constant 0 : index
    %get3A_23 = arith.constant 0 : index
    %get3A_24 = vector.load %arg3[%get3A_21, %get3A_22, %get3A_23] : memref<1x1x5000xi32, #tpu.memory_space<vmem>>, vector<1x1x5000xi32>
    %reshape3A_25 = vector.shape_cast %get3A_24 : vector<1x1x5000xi32> to vector<1x5000xi32>
    %iota3A = tpu.iota {dimensions = array<i32: 0>} : vector<64x5000xi32>
    %eq3A_26 = vector.broadcast %reshape3A_25 : vector<1x5000xi32> to vector<64x5000xi32>
    %eq3A_27 = arith.cmpi eq, %eq3A_26, %iota3A : vector<64x5000xi32>
    %convert_element_type3A_28 = arith.extui %eq3A_27 : vector<64x5000xi1> to vector<64x5000xi32>
    %convert_element_type3A_29 = arith.sitofp %convert_element_type3A_28 : vector<64x5000xi32> to vector<64x5000xf32>
    %get3A_30 = arith.constant 0 : index
    %get3A_31 = arith.constant 0 : index
    %get3A_32 = vector.load %arg7[%get3A_30, %get3A_31] : memref<64x1xf32, #tpu.memory_space<vmem>>, vector<64x1xf32>
    %jit3A = arith.constant 0xFF800000 : f32
    %broadcast_in_dim3A_33 = vector.shape_cast %add3A_20 : vector<1x5000xf32> to vector<1x5000xf32>
    %broadcast_in_dim3A_34 = vector.broadcast %broadcast_in_dim3A_33 : vector<1x5000xf32> to vector<64x5000xf32>
    %broadcast_in_dim3A_35 = vector.broadcast %jit3A : f32 to vector<64x5000xf32>
    %select_n3A = arith.select %eq3A_27, %broadcast_in_dim3A_34, %broadcast_in_dim3A_35 : vector<64x5000xi1>, vector<64x5000xf32>
    %reduce_max3A = arith.constant dense<0xFF800000> : vector<64xf32>
    %reduce_max3A_36 = vector.multi_reduction <maximumf>, %select_n3A, %reduce_max3A [1] : vector<64x5000xf32> to vector<64xf32>
    %broadcast_in_dim3A_37 = vector.shape_cast %reduce_max3A_36 : vector<64xf32> to vector<64x1xf32>
    %max3A = arith.maximumf %get3A_32, %broadcast_in_dim3A_37 : vector<64x1xf32>
    %eq3A_38 = arith.constant 0xFF800000 : f32
    %eq3A_39 = vector.broadcast %eq3A_38 : f32 to vector<64x1xf32>
    %eq3A_40 = arith.cmpf oeq, %max3A, %eq3A_39 : vector<64x1xf32>
    %sub3A = arith.subf %get3A_32, %max3A : vector<64x1xf32>
    %jit3A_41 = arith.constant 0.000000e+00 : f32
    %broadcast_in_dim3A_42 = vector.broadcast %jit3A_41 : f32 to vector<64x1xf32>
    %select_n3A_43 = arith.select %eq3A_40, %broadcast_in_dim3A_42, %sub3A : vector<64x1xi1>, vector<64x1xf32>
    %exp3A = math.exp %select_n3A_43 : vector<64x1xf32>
    %eq3A_44 = arith.constant 0xFF800000 : f32
    %eq3A_45 = vector.broadcast %eq3A_44 : f32 to vector<64x1xf32>
    %eq3A_46 = arith.cmpf oeq, %max3A, %eq3A_45 : vector<64x1xf32>
    %jit3A_47 = arith.constant 0.000000e+00 : f32
    %broadcast_in_dim3A_48 = vector.broadcast %jit3A_47 : f32 to vector<64x1xf32>
    %select_n3A_49 = arith.select %eq3A_46, %broadcast_in_dim3A_48, %max3A : vector<64x1xi1>, vector<64x1xf32>
    %dot_general3A = arith.constant dense<0.000000e+00> : vector<1x5000xf32>
    %dot_general3A_50 = tpu.matmul %select_n3A_49, %convert_element_type3A_29, %dot_general3A {dimension_numbers = #tpu.dot_dimension_numbers<[0], [0], [1], [1], [0, 1, 1, 1], [], []>, precision = #tpu.contract_precision<fp32>, transpose_lhs_hint = false} : vector<64x1xf32>, vector<64x5000xf32>, vector<1x5000xf32> -> vector<1x5000xf32>
    %sub3A_51 = arith.subf %add3A_20, %dot_general3A_50 : vector<1x5000xf32>
    %exp3A_52 = math.exp %sub3A_51 : vector<1x5000xf32>
    %mul3A = vector.broadcast %exp3A_52 : vector<1x5000xf32> to vector<64x5000xf32>
    %mul3A_53 = arith.mulf %convert_element_type3A_29, %mul3A : vector<64x5000xf32>
    %get3A_54 = arith.constant 0 : index
    %get3A_55 = arith.constant 0 : index
    %get3A_56 = vector.load %arg8[%get3A_54, %get3A_55] : memref<64x1xf32, #tpu.memory_space<vmem>>, vector<64x1xf32>
    %mul3A_57 = arith.mulf %get3A_56, %exp3A : vector<64x1xf32>
    %reduce_sum3A_58 = arith.constant dense<0.000000e+00> : vector<64xf32>
    %reduce_sum3A_59 = vector.multi_reduction <add>, %mul3A_53, %reduce_sum3A_58 [1] : vector<64x5000xf32> to vector<64xf32>
    %broadcast_in_dim3A_60 = vector.shape_cast %reduce_sum3A_59 : vector<64xf32> to vector<64x1xf32>
    %add3A_61 = arith.addf %mul3A_57, %broadcast_in_dim3A_60 : vector<64x1xf32>
    %swap3A = arith.constant 0 : index
    %swap3A_62 = arith.constant 0 : index
    %swap3A_63 = vector.load %arg8[%swap3A, %swap3A_62] : memref<64x1xf32, #tpu.memory_space<vmem>>, vector<64x1xf32>
    tpu.vector_store %arg8[%swap3A, %swap3A_62], %add3A_61 {strides = array<i32>} : memref<64x1xf32, #tpu.memory_space<vmem>>, vector<64x1xf32>,
    %get3A_64 = arith.constant 0 : index
    %get3A_65 = arith.constant 0 : index
    %get3A_66 = vector.load %arg9[%get3A_64, %get3A_65] : memref<64x128xf32, #tpu.memory_space<vmem>>, vector<64x128xf32>
    %mul3A_67 = vector.broadcast %exp3A : vector<64x1xf32> to vector<64x128xf32>
    %mul3A_68 = arith.mulf %get3A_66, %mul3A_67 : vector<64x128xf32>
    %dot_general3A_69 = arith.constant dense<0.000000e+00> : vector<64x128xf32>
    %dot_general3A_70 = tpu.matmul %mul3A_53, %get3A_3, %dot_general3A_69 {dimension_numbers = #tpu.dot_dimension_numbers<[1], [0], [0], [1], [0, 0, 1, 1], [], []>, transpose_lhs_hint = false} : vector<64x5000xf32>, vector<5000x128xf32>, vector<64x128xf32> -> vector<64x128xf32>
    %add3A_71 = arith.addf %mul3A_68, %dot_general3A_70 : vector<64x128xf32>
    %swap3A_72 = arith.constant 0 : index
    %swap3A_73 = arith.constant 0 : index
    %swap3A_74 = vector.load %arg9[%swap3A_72, %swap3A_73] : memref<64x128xf32, #tpu.memory_space<vmem>>, vector<64x128xf32>
    tpu.vector_store %arg9[%swap3A_72, %swap3A_73], %add3A_71 {strides = array<i32>} : memref<64x128xf32, #tpu.memory_space<vmem>>, vector<64x128xf32>,
    %swap3A_75 = arith.constant 0 : index
    %swap3A_76 = arith.constant 0 : index
    %swap3A_77 = vector.load %arg7[%swap3A_75, %swap3A_76] : memref<64x1xf32, #tpu.memory_space<vmem>>, vector<64x1xf32>
    tpu.vector_store %arg7[%swap3A_75, %swap3A_76], %max3A {strides = array<i32>} : memref<64x1xf32, #tpu.memory_space<vmem>>, vector<64x1xf32>,
    %eq3A_78 = arith.constant 1 : i32
    %eq3A_79 = arith.cmpi eq, %arg0, %eq3A_78 : i32
    %convert_element_type3A_80 = arith.extui %eq3A_79 : i1 to i32
    %cond3A_81 = arith.constant 0 : i32
    %cond3A_82 = arith.cmpi ne, %convert_element_type3A_80, %cond3A_81 : i32
    scf.if %cond3A_82 {
      %get3A_83 = arith.constant 0 : index
      %get3A_84 = arith.constant 0 : index
      %get3A_85 = vector.load %arg9[%get3A_83, %get3A_84] : memref<64x128xf32, #tpu.memory_space<vmem>>, vector<64x128xf32>
      %get3A_86 = arith.constant 0 : index
      %get3A_87 = arith.constant 0 : index
      %get3A_88 = vector.load %arg8[%get3A_86, %get3A_87] : memref<64x1xf32, #tpu.memory_space<vmem>>, vector<64x1xf32>
      %add3A_89 = arith.constant 1.000000e-16 : f32
      %add3A_90 = vector.broadcast %add3A_89 : f32 to vector<64x1xf32>
      %add3A_91 = arith.addf %get3A_88, %add3A_90 : vector<64x1xf32>
      %div3A = vector.broadcast %add3A_91 : vector<64x1xf32> to vector<64x128xf32>
      %div3A_92 = arith.divf %get3A_85, %div3A : vector<64x128xf32>
      %swap3A_93 = arith.constant 0 : index
      %swap3A_94 = arith.constant 0 : index
      %swap3A_95 = vector.load %arg6[%swap3A_93, %swap3A_94] : memref<64x128xf32, #tpu.memory_space<vmem>>, vector<64x128xf32>
      tpu.vector_store %arg6[%swap3A_93, %swap3A_94], %div3A_92 {strides = array<i32>} : memref<64x128xf32, #tpu.memory_space<vmem>>, vector<64x128xf32>,
    } else {
    }
    return
  }
  func.func @transform_0(%arg0: i32) -> (i32, i32) {
    %c0_i32 = arith.constant 0 : i32
    %c0_i32_0 = arith.constant 0 : i32
    return %arg0, %c0_i32 : i32, i32
  }
  func.func @transform_1(%arg0: i32) -> (i32, i32, i32, i32) {
    %c0_i32 = arith.constant 0 : i32
    %c0_i32_0 = arith.constant 0 : i32
    %c0_i32_1 = arith.constant 0 : i32
    %c0_i32_2 = arith.constant 0 : i32
    return %c0_i32, %arg0, %c0_i32_0, %c0_i32_1 : i32, i32, i32, i32
  }
  func.func @transform_2(%arg0: i32) -> (i32, i32, i32) {
    %c0_i32 = arith.constant 0 : i32
    %c0_i32_0 = arith.constant 0 : i32
    %c0_i32_1 = arith.constant 0 : i32
    return %arg0, %c0_i32, %c0_i32_0 : i32, i32, i32
  }
  func.func @transform_3(%arg0: i32) -> (i32, i32, i32) {
    %c0_i32 = arith.constant 0 : i32
    %c0_i32_0 = arith.constant 0 : i32
    %c0_i32_1 = arith.constant 0 : i32
    return %arg0, %c0_i32, %c0_i32_0 : i32, i32, i32
  }
  func.func @transform_4(%arg0: i32) -> (i32, i32) {
    %c0_i32 = arith.constant 0 : i32
    %c0_i32_0 = arith.constant 0 : i32
    %c0_i32_1 = arith.constant 0 : i32
    return %c0_i32, %c0_i32_0 : i32, i32
  }
  func.func @transform_5(%arg0: i32) -> (i32, i32) {
    %c0_i32 = arith.constant 0 : i32
    %c0_i32_0 = arith.constant 0 : i32
    %c0_i32_1 = arith.constant 0 : i32
    return %c0_i32, %c0_i32_0 : i32, i32
  }
}

</mosaic_0001>

<sc_bundles>
// kernel: kernel.5.cloned.1.call-start
scs
__scs_entry_jumppad:
0x0: {  	(pc) =	sbr.rel $0x88, $3  }
0x1: {  	(tag) =	ssettag $0x0;
	lr =	simm.s32 $0x1  }
0x2: {  	[smem:$0x3F9B] =	sst lr;
	_ =	strace $0xD0000000  }
0x3: {  	_ = 	snop  }
0x4: {  	_ = 	snop  }
0x5: {  	_ = 	snop  }
0x6: {  	_ = 	snop  }
0x7: {  	_ = 	snop  }
__scs_overlays_trampoline_lowered:
0x8: {  	[smem:$0x3FAA] =	sst s0  }
0x9: {  	[smem:$0x3FAB] =	sst s1  }
0xa: {  	[smem:$0x3FAC] =	sst s2  }
0xb: {  	[smem:$0x3FAD] =	sst s3  }
0xc: {  	[smem:$0x3FAE] =	sst s4  }
0xd: {  	[smem:$0x3FAF] =	sst s5  }
0xe: {  	[smem:$0x3FB0] =	sst s6  }
0xf: {  	[smem:$0x3FB1] =	sst s7  }
0x10: {  	[smem:$0x3FB2] =	sst s8  }
0x11: {  	[smem:$0x3FB3] =	sst s9;
	s0 =	simm.s32 @!p0 $0x0  }
0x12: {  	s1 =	sld [smem:$0x3F99];
	s0 =	simm.s32 @p0 $0x1  }
0x13: {  	[smem:$0x3FB4] =	sst s0;
	s0 =	simm.s32 @!p1 $0x0  }
0x14: {  	s2 =	sld [smem:$0x3F98];
	s0 =	simm.s32 @p1 $0x1  }
0x15: {  	[smem:$0x3FB5] =	sst s0;
	s0 =	simm.s32 @!p2 $0x0  }
0x16: {  	s3 =	sld [smem:$0x3FDB];
	s0 =	simm.s32 @p2 $0x1  }
0x17: {  	s4 =	simm.s32 $0x1BF5;
	[smem:$0x3FB7] =	sst s0  }
0x18: {  	s0 =	sld [smem:$0x3F9A];
	_ =	swait.ge [sflag:s4], $0x0  }
0x19: {  	s7 =	sld [smem:$0x3F9B]  }
0x1a: {  	s8 =	sadd.s32 $0xFFFFE003, lr  }
0x1b: {  	s9 =	sadd.s32 $0xFFFFFEF7, lr;
	s5 =	simm.s32 $0xFFFFFFFF;
	p2 =	slt.u32 s8, $0xFFFFF086  }
0x1c: {  	p1 =	slt.u32 s9, $0xF7A;
	s5 =	simm.s32 @!p2 $0x0  }
0x1d: {  	s5 =	simm.s32 @p1 $0x1;
	p0 =	seq.s32 s7, s2  }
0x1e: {  	s7 =	smul.u32 @!p0 $0xF7A, s2;
	p2 =	seq.s32 @!p0 s5, $0x0  }
0x1f: {  	s9 =	smul.u32 $0xF7A, s1;
	s8 =	simm.s32 @!p0 $0x1BF5;
	p2 =	por !p2, p0  }
0x20: {  	[sflag:s8] =	ssyncset.s32 @!p0 $0xFFFFF086;
	s6 =	sadd.s32 @!p0 s3, s7;
	s7 =	simm.s32 @!p0 $0x108  }
0x21: {  	s3 =	sadd.s32 s3, s9;
	s6 =	sadd.s32 @!p0 $0x88, s6;
	s7 =	simm.s32 @p2 $0x1082  }
0x22: {  	[simem:s7], [sflag:s8] =	dma.local @!p0 [hbm:s6], $0xF7A  }
0x23: {  	s9 =	sor.u32 $0xD0000000, s2;
	s6 =	simm.s32 $0x108;
	_ =	swait.ge @!p0 [sflag:s8], $0x0  }
0x24: {  	s3 =	sadd.s32 $0x88, s3;
	s6 =	simm.s32 @!p1 $0x1082;
	[sflag:s4] =	ssyncset.s32 $0xFFFFF086  }
0x25: {  	[simem:s6], [sflag:s4] =	dma.local [hbm:s3], $0xF7A  }
0x26: {  	[smem:$0x3F9B] =	sst s1;
	(tag) =	ssettag s2;
	_ =	strace s9  }
0x27: {  	s1 =	sld [smem:$0x3FAB]  }
0x28: {  	s2 =	sld [smem:$0x3FAC]  }
0x29: {  	s4 =	sld [smem:$0x3FAE]  }
0x2a: {  	p0 =	seq.s32 s5, $0x0;
	s5 =	sld [smem:$0x3FAF]  }
0x2b: {  	s6 =	sld [smem:$0x3FB0]  }
0x2c: {  	s7 =	sld [smem:$0x3FB1]  }
0x2d: {  	s3 =	simm.s32 $0x108;
	s8 =	sld [smem:$0x3FB2]  }
0x2e: {  	s3 =	simm.s32 @!p0 $0x1082;
	s9 =	sld [smem:$0x3FB3]  }
0x2f: {  	lr =	sadd.s32 s0, s3;
	s0 =	sld [smem:$0x3FAA]  }
0x30: {  	s3 =	sld [smem:$0x3FAD]  }
0x31: {  	[smem:$0x3FB6] =	sst s10  }
0x32: {  	s10 =	sld [smem:$0x3FB4];
	_ =	sdelay $0x3  }
0x33: {  	p0 =	seq.s32 s10, $0x1;
	s10 =	sld [smem:$0x3FB6];
	_ =	sdelay $0x3  }
0x34: {  	[smem:$0x3FB6] =	sst s10  }
0x35: {  	s10 =	sld [smem:$0x3FB5];
	_ =	sdelay $0x3  }
0x36: {  	p1 =	seq.s32 s10, $0x1;
	s10 =	sld [smem:$0x3FB6];
	_ =	sdelay $0x3  }
0x37: {  	[smem:$0x3FB6] =	sst s10  }
0x38: {  	s10 =	sld [smem:$0x3FB7]  }
0x39: {  	_ = 	snop;
	(pc) =	sbr.ind lr, $3  }
0x3a: {  	_ = 	snop  }
0x3b: {  	_ = 	snop  }
0x3c: {  	p2 =	seq.s32 s10, $0x1;
	s10 =	sld [smem:$0x3FB6]  }
0x3d: {  	_ =	shalt  }
0x3e: {  	_ =	shalt  }
0x3f: {  	_ =	shalt  }
0x40: {  	_ =	shalt  }
0x41: {  	_ =	shalt  }
0x42: {  	_ =	shalt  }
0x43: {  	_ =	shalt  }
0x44: {  	_ =	shalt  }
0x45: {  	_ =	shalt  }
0x46: {  	_ =	shalt  }
0x47: {  	_ =	shalt  }
0x48: {  	_ =	shalt  }
0x49: {  	_ =	shalt  }
0x4a: {  	_ =	shalt  }
0x4b: {  	_ =	shalt  }
0x4c: {  	_ =	shalt  }
0x4d: {  	_ =	shalt  }
0x4e: {  	_ =	shalt  }
0x4f: {  	_ =	shalt  }
0x50: {  	_ =	shalt  }
0x51: {  	_ =	shalt  }
0x52: {  	_ =	shalt  }
0x53: {  	_ =	shalt  }
0x54: {  	_ =	shalt  }
0x55: {  	_ =	shalt  }
0x56: {  	_ =	shalt  }
0x57: {  	_ =	shalt  }
0x58: {  	_ =	shalt  }
0x59: {  	_ =	shalt  }
0x5a: {  	_ =	shalt  }
0x5b: {  	_ =	shalt  }
0x5c: {  	_ =	shalt  }
0x5d: {  	_ =	shalt  }
0x5e: {  	_ =	shalt  }
0x5f: {  	_ =	shalt  }
0x60: {  	_ =	shalt  }
0x61: {  	_ =	shalt  }
0x62: {  	_ =	shalt  }
0x63: {  	_ =	shalt  }
0x64: {  	_ =	shalt  }
0x65: {  	_ =	shalt  }
0x66: {  	_ =	shalt  }
0x67: {  	_ =	shalt  }
0x68: {  	_ =	shalt  }
0x69: {  	_ =	shalt  }
0x6a: {  	_ =	shalt  }
0x6b: {  	_ =	shalt  }
0x6c: {  	_ =	shalt  }
0x6d: {  	_ =	shalt  }
0x6e: {  	_ =	shalt  }
0x6f: {  	_ =	shalt  }
0x70: {  	_ =	shalt  }
0x71: {  	_ =	shalt  }
0x72: {  	_ =	shalt  }
0x73: {  	_ =	shalt  }
0x74: {  	_ =	shalt  }
0x75: {  	_ =	shalt  }
0x76: {  	_ =	shalt  }
0x77: {  	_ =	shalt  }
0x78: {  	_ =	shalt  }
0x79: {  	_ =	shalt  }
0x7a: {  	_ =	shalt  }
0x7b: {  	_ =	shalt  }
0x7c: {  	_ =	shalt  }
0x7d: {  	_ =	shalt  }
0x7e: {  	_ =	shalt  }
0x7f: {  	_ =	shalt  }
0x80: {  	_ =	shalt  }
0x81: {  	_ =	shalt  }
0x82: {  	_ =	shalt  }
0x83: {  	_ =	shalt  }
0x84: {  	_ =	shalt  }
0x85: {  	_ =	shalt  }
0x86: {  	_ =	shalt  }
0x87: {  	_ =	shalt  }
.Lfunc_end0:
.L_simem_size_0:
called_computation_lowered:
.L_overlay_start_0:
0x88: {  	s0 =	sld [smem:$0x3FD9]  }
0x89: {  	s1 =	sld [smem:$0x3FFE];
	_ =	sdelay $0x3  }
0x8a: {  	s0 =	sadd.s32 s1, s0  }
0x8b: {  	[smem:$0x3FC2] =	sst s0  }
0x8c: {  	_ = 	snop  }
0x8d: {  	(tm) =	ssettm $0x1  }
0x8e: {  	s15 =	sld [smem:$0x3FFB];
	_ =	sdelay $0x3  }
0x8f: {  	_ =	strace s15  }
0x90: {  	s0 =	sld [smem:$0x3FFC];
	_ =	sdelay $0x3  }
0x91: {  	_ =	strace s0  }
0x92: {  	s0 =	sld [smem:$0x3FFD];
	_ =	sdelay $0x3  }
0x93: {  	_ =	strace s0  }
0x94: {  	_ =	strace $0x8FFFFFFF  }
0x95: {  	s16 =	sld [smem:$0x3FDB];
	_ =	sdelay $0x1  }
0x96: {  	s17 =	simm.s32 $_scs_section_size  }
0x97: {  	s2 =	simm.s32 $_size__tile_overlayer_lowered;
	s3 =	simm.s32 $_tile_overlayer_lowered  }
0x98: {  	s20 =	simm.s32 $0x1BFF;
	s19 =	sshll.u32 s3, $0x1;
	s0 =	sadd.s32 s17, s16  }
0x99: {  	s4 =	simm.s32 $0x0;
	s18 =	sshll.u32 s2, $0x1;
	s2 =	sadd.s32 s19, s0  }
0x9a: {  	[timem:s4], [sflag:s20] =	dma.local [hbm:s2], s18  }
0x9b: {  	_ =	swait.ge [sflag:s20], s18  }
0x9c: {  	s1 =	ssub.s32 $0x0, s18;
	[sflag:s20] =	ssyncset.done $0x0  }
0x9d: {  	[sflag:s20] =	ssyncadd.s32 s1;
	_ =	sdelay $0x1  }
0x9e: {  	s21 =	simm.s32 $0x1B8B  }
0x9f: {  	_ =	swait.ge [sflag:s21], $0x1  }
0xa0: {  	[sflag:s21] =	ssyncset.done $0x0  }
0xa1: {  	s23 =	simm.s32 $0x1B8E;
	s22 =	sld [smem:$0x3FFE];
	[sflag:s21] =	ssyncadd.s32 $0xFFFFFFFF  }
0xa2: {  	s24 =	simm.s32 $execute0_lowered;
	[smem:$0x3FD2] =	sst s23  }
0xa3: {  	s2 =	sshll.u32 s24, $0x1;
	_ =	strace $0x80000046;
	[dreg:$0x1] =	wrdreg $0xFFFFFFFF  }
0xa4: {  	s25 =	simm.s32 $_size_execute0_lowered;
	s0 =	sadd.s32 s0, s2;
	[dreg:$0x0] =	wrdreg $0x0  }
0xa5: {  	s2 =	sshll.u32 s25, $0x1;
	[dreg:$0x2] =	wrdreg s0  }
0xa6: {  	[dreg:$0x3] =	wrdreg s2  }
0xa7: {  	[dreg:$0x4] =	wrdreg $0xC0  }
0xa8: {  	_ =	task [dreg:s4], $0x5FFFF  }
0xa9: {  	[dreg:$0x1] =	wrdreg $0xFFFFFFFF  }
0xaa: {  	[dreg:$0x0] =	wrdreg $0x60  }
0xab: {  	[dreg:$0x2] =	wrdreg s22  }
0xac: {  	[dreg:$0x3] =	wrdreg $0x9  }
0xad: {  	_ =	task.clear_ibuf [dreg:s4], $0x4FFFF;
	_ =	strace $0x90000046  }
0xae: {  	s26 =	simm.s32 $0x9;
	_ =	strace $0x80000048  }
0xaf: {  	_ =	swait.ge [sflag:s26], $0x1  }
0xb0: {  	[sflag:s26] =	ssyncadd.s32 $0xFFFFFFFF  }
0xb1: {  	_ =	strace $0x90000048  }
0xb2: {  	_ =	sfence  }
0xb3: {  	s28 =	sld [smem:$0x0];
	_ =	sdelay $0x1  }
0xb4: {  	s29 =	srdreg.scid  }
0xb5: {  	s30 =	sshll.u32 s29, $0xD;
	s31 =	sshrl.u32 s29, $0x2  }
0xb6: {  	s1 =	sand.u32 $0x1, s29;
	s2 =	sand.u32 $0x4000, s30;
	s0 =	sadd.s32 s31, s28  }
0xb7: {  	s1 =	sor.u32 s2, s1;
	s0 =	sshll.u32 s0, $0x11  }
0xb8: {  	s0 =	sor.u32 s0, s1  }
0xb9: {  	s0 =	sadd.s32 $0x8F2B, s0  }
0xba: {  	[sflag:s0] =	ssyncadd.remote.s32 $0x1  }
0xbb: {  	_ =	sfence.sel $0xFFFF  }
0xbc: {  	[dreg:$0x0] =	wrdreg $0xFFFFFFFF;
	(pc) =	sbr.abs _section_cstart, $3  }
0xbd: {  	[dreg:$0x1] =	wrdreg $0xFFFFFFFF  }
0xbe: {  	_ =	task.clear_ibuf [dreg:s4], $0x2FFFF;
	_ =	strace $0x9FFFFFFF  }
0xbf: {  	(tm) =	ssettm $0x7FFFFFFF  }
tec
execute0_lowered:
.L_overlay_start_1:
0x0: {  	(tag) =	ssettag $0x1  }
0x1: {  	s2 =	rddreg [dreg:$0x0];
	s1 =	stileid.u32  }
0x2: {  	s0 =	rddreg [dreg:$0x1];
	s3 =	simm.s32 $0x0;
	s4 =	smul.u32 $0x4E20, s1  }
0x3: {  	[smem:$0x7FF] =	sst s3  }
0x4: {  	s5 =	sadd.s32 $0xA00, s2;
	_ =	strace $0x80000047;
	s4 =	sshrl.u32 s4, $0x3  }
0x5: {  	[tilespmem:s3], [sflag:$0x1] =	stream.linear.gather [hbm4b:s5+s3], $0x1388, $0x38;
	[tilespmem:$0xEA60] =	vst v63  }
0x6: {  	s6 =	simm.s32 $0x1388;
	s28 =	sadd.s32 $0xEE2, s2;
	s4 =	sadd.s32 s4, s2  }
0x7: {  	[tilespmem:s6], [sflag:$0x1] =	stream.linear.gather [hbm4b:s28+s3], $0x1388, $0x38;
	[tilespmem:$0xEA60] =	vst v63  }
0x8: {  	s30 =	simm.s32 $0x2710;
	s29 =	sadd.s32 $0x1400, s4  }
0x9: {  	[tilespmem:s30], [sflag:$0x2] =	stream.linear.gather [hbm4b:s29+s3], $0x4E20, $0x38;
	[tilespmem:$0xEA60] =	vst v63  }
0xa: {  	s31 =	simm.s32 $0x7530;
	s4 =	sadd.s32 $0xB040, s4  }
0xb: {  	[tilespmem:s31], [sflag:$0x3] =	stream.linear.gather [hbm4b:s4+s3], $0x4E20, $0x38;
	[tilespmem:$0xEA60] =	vst v63  }
0xc: {  	v0 =	vimm.f32 $0.0e+00;
	s3 =	simm.s32 $0xC390  }
0xd: {  	[tilespmem:s3+$0xFFFFFFC0] =	vst v0  }
0xe: {  	[tilespmem:s3+$0x30] =	vst v0  }
0xf: {  	[tilespmem:s3+$0x20] =	vst v0  }
0x10: {  	[tilespmem:s3+$0x10] =	vst v0  }
0x11: {  	[tilespmem:s3+$0x0] =	vst v0  }
0x12: {  	[tilespmem:s3+$0xFFFFFFF0] =	vst v0  }
0x13: {  	s2 =	sadd.s32 $0x14E00, s2;
	s4 =	simm.s32 $0x0;
	[tilespmem:s3+$0xFFFFFFE0] =	vst v0  }
.LBB2_1:
0x14: {  	s4 =	sadd.s32 $0x8, s4;
	[tilespmem:s3+$0xFFFFFFD0] =	vst v0;
	s3 =	sadd.s32 $0x80, s3  }
0x15: {  	[tilespmem:s3+$0xFFFFFFC0] =	vst v0;
	p0 =	slt.u32 s4, $0x268  }
0x16: {  	[tilespmem:s3+$0x30] =	vst v0  }
.Ltmp0:
0x17: {  	[tilespmem:s3+$0x20] =	vst v0;
	(pc) =	sbr.rel @p0 .LBB2_1-.Ltmp0, $4  }
0x18: {  	[tilespmem:s3+$0x10] =	vst v0  }
0x19: {  	[tilespmem:s3+$0x0] =	vst v0  }
0x1a: {  	[tilespmem:s3+$0xFFFFFFF0] =	vst v0  }
0x1b: {  	[tilespmem:s3+$0xFFFFFFE0] =	vst v0  }
0x1c: {  	[tilespmem:s3+$0xFFFFFFD0] =	vst v0;
	v60 =	vimm.f32 $0.0e+00  }
0x1d: {  	s29 =	simm.s32 $0x1;
	[tilespmem:$0xEA50] =	vst v60  }
0x1e: {  	_ =	swait.ge [sflag:s29], $0x1388  }
0x1f: {  	[sflag:s29] =	ssyncset.done $0x0  }
0x20: {  	[sflag:s29] =	ssyncadd.s32 $0xFFFFEC78  }
0x21: {  	_ =	swait.ge [sflag:s29], $0x1388  }
0x22: {  	[sflag:s29] =	ssyncset.done $0x0  }
0x23: {  	s30 =	simm.s32 $0x2;
	[sflag:s29] =	ssyncadd.s32 $0xFFFFEC78  }
0x24: {  	_ =	swait.ge [sflag:s30], $0x4E20  }
0x25: {  	[sflag:s30] =	ssyncset.done $0x0  }
0x26: {  	s31 =	simm.s32 $0x3;
	[sflag:s30] =	ssyncadd.s32 $0xFFFFB1E0  }
0x27: {  	_ =	swait.ge [sflag:s31], $0x4E20  }
0x28: {  	[sflag:s31] =	ssyncset.done $0x0  }
0x29: {  	s6 =	simm.s32 $0x2790;
	[sflag:s31] =	ssyncadd.s32 $0xFFFFB1E0  }
0x2a: {  	v61 =	vld [tilespmem:s6+$0x70]  }
0x2b: {  	v1 =	vld [tilespmem:s6+$0xFFFFFF90]  }
0x2c: {  	v2 =	vld [tilespmem:s6+$0xFFFFFFA0]  }
0x2d: {  	v3 =	vld [tilespmem:s6+$0xFFFFFFB0]  }
0x2e: {  	v4 =	vld [tilespmem:s6+$0xFFFFFFC0]  }
0x2f: {  	s3 =	simm.s32 $0x75B0;
	v5 =	vld [tilespmem:s6+$0xFFFFFFD0]  }
0x30: {  	v6 =	vld [tilespmem:s3+$0x70]  }
0x31: {  	v7 =	vld [tilespmem:s6+$0xFFFFFFE0]  }
0x32: {  	v8 =	vld [tilespmem:s6+$0xFFFFFFF0]  }
0x33: {  	v9 =	vld [tilespmem:s6+$0x0]  }
0x34: {  	v10 =	vld [tilespmem:s6+$0x10]  }
0x35: {  	v11 =	vld [tilespmem:s6+$0x20]  }
0x36: {  	v12 =	vld [tilespmem:s6+$0x30]  }
0x37: {  	v62 =	vld [tilespmem:s6+$0x40]  }
0x38: {  	v63 =	vld [tilespmem:s6+$0x50]  }
0x39: {  	v13 =	vld [tilespmem:s6+$0x60]  }
0x3a: {  	v14 =	vld [tilespmem:s6+$0xFFFFFF80]  }
0x3b: {  	v15 =	vld [tilespmem:s3+$0xFFFFFF80]  }
0x3c: {  	v16 =	vld [tilespmem:s3+$0xFFFFFF90]  }
0x3d: {  	v17 =	vld [tilespmem:s3+$0xFFFFFFA0]  }
0x3e: {  	v18 =	vld [tilespmem:s3+$0xFFFFFFB0]  }
0x3f: {  	v19 =	vld [tilespmem:s3+$0xFFFFFFC0]  }
0x40: {  	v20 =	vld [tilespmem:s3+$0xFFFFFFD0]  }
0x41: {  	v21 =	vld [tilespmem:s3+$0xFFFFFFE0]  }
0x42: {  	v22 =	vld [tilespmem:s3+$0xFFFFFFF0]  }
0x43: {  	v23 =	vld [tilespmem:s3+$0x0]  }
0x44: {  	v24 =	vld [tilespmem:s3+$0x10]  }
0x45: {  	v25 =	vld [tilespmem:s3+$0x20]  }
0x46: {  	v26 =	vld [tilespmem:s3+$0x30]  }
0x47: {  	v27 =	vld [tilespmem:s3+$0x40]  }
0x48: {  	v28 =	vld [tilespmem:s3+$0x50]  }
0x49: {  	s4 =	simm.s32 $0x0;
	v29 =	vld [tilespmem:s3+$0x60]  }
0x4a: {  	v0 =	vld.idx.msk [tilespmem:v61+s4+$0x0], $0xffff  }
0x4b: {  	v1 =	vld.idx.msk [tilespmem:v1+s4+$0x0], $0xffff  }
0x4c: {  	v2 =	vld.idx.msk [tilespmem:v2+s4+$0x0], $0xffff  }
0x4d: {  	v3 =	vld.idx.msk [tilespmem:v3+s4+$0x0], $0xffff  }
0x4e: {  	v4 =	vld.idx.msk [tilespmem:v4+s4+$0x0], $0xffff  }
0x4f: {  	v5 =	vld.idx.msk [tilespmem:v5+s4+$0x0], $0xffff  }
0x50: {  	v7 =	vld.idx.msk [tilespmem:v7+s4+$0x0], $0xffff  }
0x51: {  	v8 =	vld.idx.msk [tilespmem:v8+s4+$0x0], $0xffff  }
0x52: {  	v14 =	vld.idx.msk [tilespmem:v14+s4+$0x0], $0xffff  }
0x53: {  	v9 =	vld.idx.msk [tilespmem:v9+s4+$0x0], $0xffff  }
0x54: {  	v10 =	vld.idx.msk [tilespmem:v10+s4+$0x0], $0xffff  }
0x55: {  	v11 =	vld.idx.msk [tilespmem:v11+s4+$0x0], $0xffff  }
0x56: {  	v12 =	vld.idx.msk [tilespmem:v12+s4+$0x0], $0xffff  }
0x57: {  	s5 =	simm.s32 $0xC350;
	v13 =	vld.idx.msk [tilespmem:v13+s4+$0x0], $0xffff  }
0x58: {  	[tilespmem:v6+s5+$0x0] =	vst.idx.add.f32.msk $0xffff, v0  }
0x59: {  	v0 =	vld.idx.msk [tilespmem:v62+s4+$0x0], $0xffff  }
0x5a: {  	v6 =	vld.idx.msk [tilespmem:v63+s4+$0x0], $0xffff  }
0x5b: {  	[tilespmem:v15+s5+$0x0] =	vst.idx.add.f32.msk $0xffff, v14  }
0x5c: {  	[tilespmem:v16+s5+$0x0] =	vst.idx.add.f32.msk $0xffff, v1  }
0x5d: {  	[tilespmem:v17+s5+$0x0] =	vst.idx.add.f32.msk $0xffff, v2  }
0x5e: {  	[tilespmem:v18+s5+$0x0] =	vst.idx.add.f32.msk $0xffff, v3  }
0x5f: {  	[tilespmem:v19+s5+$0x0] =	vst.idx.add.f32.msk $0xffff, v4  }
0x60: {  	[tilespmem:v20+s5+$0x0] =	vst.idx.add.f32.msk $0xffff, v5  }
0x61: {  	[tilespmem:v21+s5+$0x0] =	vst.idx.add.f32.msk $0xffff, v7  }
0x62: {  	[tilespmem:v22+s5+$0x0] =	vst.idx.add.f32.msk $0xffff, v8  }
0x63: {  	[tilespmem:v23+s5+$0x0] =	vst.idx.add.f32.msk $0xffff, v9  }
0x64: {  	[tilespmem:v24+s5+$0x0] =	vst.idx.add.f32.msk $0xffff, v10  }
0x65: {  	[tilespmem:v25+s5+$0x0] =	vst.idx.add.f32.msk $0xffff, v11  }
0x66: {  	[tilespmem:v26+s5+$0x0] =	vst.idx.add.f32.msk $0xffff, v12  }
0x67: {  	[tilespmem:v29+s5+$0x0] =	vst.idx.add.f32.msk $0xffff, v13  }
0x68: {  	[tilespmem:v27+s5+$0x0] =	vst.idx.add.f32.msk $0xffff, v0  }
0x69: {  	s7 =	simm.s32 $0x2890;
	s6 =	simm.s32 $0x0;
	[tilespmem:v28+s5+$0x0] =	vst.idx.add.f32.msk $0xffff, v6  }
.LBB2_3:
0x6a: {  	v0 =	vld [tilespmem:s7+$0x70];
	s6 =	sadd.s32 $0x10, s6  }
0x6b: {  	v1 =	vld [tilespmem:s7+$0xFFFFFF90];
	p0 =	slt.u32 s6, $0x4D0  }
0x6c: {  	v2 =	vld [tilespmem:s7+$0xFFFFFFA0]  }
0x6d: {  	v3 =	vld [tilespmem:s7+$0xFFFFFFB0]  }
0x6e: {  	v4 =	vld [tilespmem:s7+$0xFFFFFFC0]  }
0x6f: {  	s3 =	sadd.s32 $0x100, s3;
	v5 =	vld [tilespmem:s7+$0xFFFFFFD0]  }
0x70: {  	v6 =	vld [tilespmem:s3+$0x70]  }
0x71: {  	v7 =	vld [tilespmem:s7+$0xFFFFFFE0]  }
0x72: {  	v0 =	vld.idx.msk [tilespmem:v0+s4+$0x0], $0xffff  }
0x73: {  	v8 =	vld [tilespmem:s7+$0xFFFFFFF0]  }
0x74: {  	v9 =	vld [tilespmem:s7+$0x0]  }
0x75: {  	v10 =	vld [tilespmem:s7+$0x10]  }
0x76: {  	v11 =	vld [tilespmem:s7+$0x20]  }
0x77: {  	v12 =	vld [tilespmem:s7+$0x30]  }
0x78: {  	[tilespmem:v6+s5+$0x0] =	vst.idx.add.f32.msk $0xffff, v0  }
0x79: {  	v0 =	vld [tilespmem:s7+$0x40]  }
0x7a: {  	v6 =	vld [tilespmem:s7+$0x50]  }
0x7b: {  	v13 =	vld [tilespmem:s7+$0x60]  }
0x7c: {  	v14 =	vld [tilespmem:s7+$0xFFFFFF80]  }
0x7d: {  	v1 =	vld.idx.msk [tilespmem:v1+s4+$0x0], $0xffff  }
0x7e: {  	v2 =	vld.idx.msk [tilespmem:v2+s4+$0x0], $0xffff  }
0x7f: {  	v3 =	vld.idx.msk [tilespmem:v3+s4+$0x0], $0xffff  }
0x80: {  	v4 =	vld.idx.msk [tilespmem:v4+s4+$0x0], $0xffff  }
0x81: {  	v5 =	vld.idx.msk [tilespmem:v5+s4+$0x0], $0xffff  }
0x82: {  	v7 =	vld.idx.msk [tilespmem:v7+s4+$0x0], $0xffff  }
0x83: {  	v8 =	vld.idx.msk [tilespmem:v8+s4+$0x0], $0xffff  }
0x84: {  	v14 =	vld.idx.msk [tilespmem:v14+s4+$0x0], $0xffff  }
0x85: {  	v9 =	vld.idx.msk [tilespmem:v9+s4+$0x0], $0xffff  }
0x86: {  	v10 =	vld.idx.msk [tilespmem:v10+s4+$0x0], $0xffff  }
0x87: {  	v11 =	vld.idx.msk [tilespmem:v11+s4+$0x0], $0xffff  }
0x88: {  	v12 =	vld.idx.msk [tilespmem:v12+s4+$0x0], $0xffff  }
0x89: {  	v0 =	vld.idx.msk [tilespmem:v0+s4+$0x0], $0xffff  }
0x8a: {  	v6 =	vld.idx.msk [tilespmem:v6+s4+$0x0], $0xffff  }
0x8b: {  	v13 =	vld.idx.msk [tilespmem:v13+s4+$0x0], $0xffff  }
0x8c: {  	v15 =	vld [tilespmem:s3+$0xFFFFFF80]  }
0x8d: {  	v16 =	vld [tilespmem:s3+$0xFFFFFF90]  }
0x8e: {  	v17 =	vld [tilespmem:s3+$0xFFFFFFA0]  }
0x8f: {  	v18 =	vld [tilespmem:s3+$0xFFFFFFB0]  }
0x90: {  	v19 =	vld [tilespmem:s3+$0xFFFFFFC0]  }
0x91: {  	v20 =	vld [tilespmem:s3+$0xFFFFFFD0]  }
0x92: {  	v21 =	vld [tilespmem:s3+$0xFFFFFFE0]  }
0x93: {  	v22 =	vld [tilespmem:s3+$0xFFFFFFF0]  }
0x94: {  	v23 =	vld [tilespmem:s3+$0x0]  }
0x95: {  	v24 =	vld [tilespmem:s3+$0x10]  }
0x96: {  	v25 =	vld [tilespmem:s3+$0x20]  }
0x97: {  	v26 =	vld [tilespmem:s3+$0x30]  }
0x98: {  	v27 =	vld [tilespmem:s3+$0x40]  }
0x99: {  	v28 =	vld [tilespmem:s3+$0x50]  }
0x9a: {  	v29 =	vld [tilespmem:s3+$0x60]  }
0x9b: {  	[tilespmem:v15+s5+$0x0] =	vst.idx.add.f32.msk $0xffff, v14  }
0x9c: {  	[tilespmem:v16+s5+$0x0] =	vst.idx.add.f32.msk $0xffff, v1  }
0x9d: {  	[tilespmem:v17+s5+$0x0] =	vst.idx.add.f32.msk $0xffff, v2  }
0x9e: {  	[tilespmem:v18+s5+$0x0] =	vst.idx.add.f32.msk $0xffff, v3  }
0x9f: {  	[tilespmem:v19+s5+$0x0] =	vst.idx.add.f32.msk $0xffff, v4  }
0xa0: {  	[tilespmem:v20+s5+$0x0] =	vst.idx.add.f32.msk $0xffff, v5  }
0xa1: {  	[tilespmem:v21+s5+$0x0] =	vst.idx.add.f32.msk $0xffff, v7  }
0xa2: {  	[tilespmem:v22+s5+$0x0] =	vst.idx.add.f32.msk $0xffff, v8  }
0xa3: {  	[tilespmem:v23+s5+$0x0] =	vst.idx.add.f32.msk $0xffff, v9  }
0xa4: {  	[tilespmem:v24+s5+$0x0] =	vst.idx.add.f32.msk $0xffff, v10  }
.Ltmp1:
0xa5: {  	[tilespmem:v25+s5+$0x0] =	vst.idx.add.f32.msk $0xffff, v11;
	(pc) =	sbr.rel @p0 .LBB2_3-.Ltmp1, $4  }
0xa6: {  	[tilespmem:v26+s5+$0x0] =	vst.idx.add.f32.msk $0xffff, v12  }
0xa7: {  	[tilespmem:v27+s5+$0x0] =	vst.idx.add.f32.msk $0xffff, v0  }
0xa8: {  	[tilespmem:v28+s5+$0x0] =	vst.idx.add.f32.msk $0xffff, v6  }
0xa9: {  	s7 =	sadd.s32 $0x100, s7;
	[tilespmem:v29+s5+$0x0] =	vst.idx.add.f32.msk $0xffff, v13  }
0xaa: {  	s3 =	simm.s32 $0x0;
	s4 =	simm.s32 $0xC350;
	s5 =	simm.s32 $0x0  }
.LBB2_5:
0xab: {  	s6 =	sshra.s32 s5, $0x2  }
0xac: {  	v0 =	vld [tilespmem:s6+$0x7510];
	_ =	sdelay $0x4  }
0xad: {  	v1 =	vld [tilespmem:s6+$0xC330];
	_ =	sdelay $0x2  }
0xae: {  	p0 =	sne.s32 s5, $0x40;
	v0 =	vld.idx.msk [tilespmem:v0+s3+$0x0], $0xffff  }
.Ltmp2:
0xaf: {  	_ = 	snop;
	(pc) =	sbr.rel @p0 .LBB2_5-.Ltmp2, $2  }
0xb0: {  	_ =	sdelay $0x2  }
0xb1: {  	s5 =	sadd.s32 $0x40, s5;
	[tilespmem:v1+s4+$0x0] =	vst.idx.add.f32.msk $0xffff, v0  }
0xb2: {  	s3 =	smul.u32 $0x4E2, s1  }
0xb3: {  	s30 =	simm.s32 $0x0  }
0xb4: {  	s4 =	simm.s32 $0xC350;
	s31 =	simm.s32 $0x4;
	s2 =	sadd.s32 s2, s3  }
0xb5: {  	[hbm4b:s2+s30] =	stream.linear.scatter [tilespmem:s4], [sflag:$0x4], $0x2710, $0x38;
	[tilespmem:$0xEA60] =	vst v63  }
0xb6: {  	_ =	swait.ge [sflag:s31], $0x2710  }
0xb7: {  	[sflag:s31] =	ssyncset.done $0x0  }
0xb8: {  	[sflag:s31] =	ssyncadd.s32 $0xFFFFD8F0  }
0xb9: {  	_ =	sfence.sel $0x180000  }
0xba: {  	[bflag:$0x0] =	sbarrier.arrive $0xFFFF  }
0xbb: {  	p0 =	sne.s32 s1, $0x0;
	_ =	strace $0x90000047  }
0xbc: {  	s0 =	sadd.s32 @!p0 $0x100000, s0;
	[bflag:$0x2] =	sbarrier.arrive $0xFFFF  }
0xbd: {  	[sflag:s0] =	ssyncadd.tile.s32 @!p0 $0x1;
	_ =	shalt  }
.Lfunc_end2:
_tile_overlayer_lowered:
.L_overlay_start_2:
0xbe: {  	(tag) =	ssettag $0x2  }
0xbf: {  	s0 =	rddreg [dreg:$0x0];
	s2 =	stileid.u32  }
0xc0: {  	s1 =	rddreg [dreg:$0x1];
	p0 =	sne.s32 s2, $0x0  }
0xc1: {  	s3 =	rddreg [dreg:$0x2];
	[bflag:$0x3] =	sbarrier.arrive $0xFFFF;
	s2 =	simm.s32 @!p0 $0x1C04  }
0xc2: {  	[timem:s3], [sflag:s2] =	dma.local @!p0 [hbm:s0], s1  }
0xc3: {  	s0 =	simm.s32 @!p0 $0x4  }
0xc4: {  	_ =	swait.ge @!p0 [sflag:s0], s1  }
0xc5: {  	s1 =	ssub.s32 @!p0 $0x0, s1;
	[sflag:s0] =	ssyncset.done @!p0 $0x0  }
0xc6: {  	[sflag:s0] =	ssyncadd.s32 @!p0 s1  }
0xc7: {  	[bflag:$0x3] =	sbarrier.arrive $0xFFFF  }
0xc8: {  	_ =	shalt  }

</sc_bundles>
